<compile_context>
chip_gen: v7x
topology: tpu7x:2x2x1
jax: 0.10.2.dev20260603
libtpu: 0.0.44.dev20260713+nightly
codegen_flags: <defaults>
</compile_context>

<pallas_src>
import functools

import jax
import jax.numpy as jnp
from jax import lax
from jax.experimental import pallas as pl
from jax.experimental.pallas import tpu as pltpu
from jax.experimental.pallas import tpu_sc as plsc

B = 16384
C = 128
VIEW = 100
NC = 2
NS = 16
NW = NC * NS
BPW = B // NW


def _sie_body(x_hbm, cam_hbm, view_hbm, camtab_hbm, viewtab_hbm, out_hbm,
              cam_idx_v, view_idx_v, vtab_sh, xbuf,
              sem_i, sem_t, sem_x, sem_c, sem_v):
    wid = lax.axis_index("s") * NC + lax.axis_index("c")

    ci = pltpu.async_copy(cam_hbm.at[wid], cam_idx_v, sem_i)
    vi = pltpu.async_copy(view_hbm.at[wid], view_idx_v, sem_i)
    cx = pltpu.async_copy(x_hbm.at[wid], xbuf, sem_x)

    s = lax.axis_index("s")

    @pl.when(s < 3)
    def _stage_view_table():
        q = pl.multiple_of(s * 32, 32)
        pltpu.sync_copy(viewtab_hbm.at[pl.ds(q, 32)],
                        vtab_sh.at[pl.ds(q, 32)])

    @pl.when(s == 3)
    def _stage_view_tail():
        pltpu.sync_copy(viewtab_hbm.at[pl.ds(96, VIEW - 96)],
                        vtab_sh.at[pl.ds(96, VIEW - 96)])

    ci.wait()
    vi.wait()
    cx.wait()
    cc = pltpu.async_copy(camtab_hbm.at[cam_idx_v], xbuf, sem_c, add=True)
    plsc.subcore_barrier()
    cv = pltpu.async_copy(vtab_sh.at[view_idx_v], xbuf, sem_v, add=True)
    cc.wait()
    cv.wait()
    pltpu.sync_copy(xbuf, out_hbm.at[wid])


@functools.partial(jax.jit, static_argnames=())
def _sie(x, cam_label, view_label, camera_embedding, view_embedding):
    run = pl.kernel(
        _sie_body,
        out_type=jax.ShapeDtypeStruct((NW, BPW, C), jnp.float32),
        mesh=plsc.VectorSubcoreMesh(core_axis_name="c", subcore_axis_name="s"),
        scratch_types=[
            pltpu.VMEM((BPW,), jnp.int32),
            pltpu.VMEM((BPW,), jnp.int32),
            pltpu.VMEM_SHARED((VIEW, C), jnp.float32),
            pltpu.VMEM((BPW, C), jnp.float32),
            pltpu.SemaphoreType.DMA,
            pltpu.SemaphoreType.DMA,
            pltpu.SemaphoreType.DMA,
            pltpu.SemaphoreType.DMA,
            pltpu.SemaphoreType.DMA,
        ],
    )
    out = run(x.reshape(NW, BPW, C),
              cam_label.reshape(NW, BPW),
              view_label.reshape(NW, BPW),
              camera_embedding, view_embedding)
    return out.reshape(B, C)


def kernel(x, cam_label, view_label, camera_embedding, view_embedding):
    return _sie(x, cam_label.astype(jnp.int32), view_label.astype(jnp.int32),
                camera_embedding, view_embedding)

# --- scband reference (transcript-rebuilt; emitter-appended) ---
"""Pipeline reference for scband-sielayer-19894288515245 (READ-ONLY COPY).

The authoritative reference and input builder live on the scoring server;
editing this copy changes nothing except your own understanding.
"""

import jax, jax.numpy as jnp
import numpy as np

B = 16384
C = 128
CAM = 1000
VIEW = 100
SIE_XISHU = 1.0

def setup_inputs(seed: int = 0) -> dict:
    key = jax.random.key(seed)
    k1, k2, k3, k4, k5 = jax.random.split(key, 5)
    x = jax.random.normal(k1, (B, C), dtype=jnp.float32)
    cam_label = jax.random.randint(k2, (B,), 0, CAM, dtype=jnp.int64 if jax.config.jax_enable_x64 else jnp.int32)
    view_label = jax.random.randint(k3, (B,), 0, VIEW, dtype=jnp.int64 if jax.config.jax_enable_x64 else jnp.int32)
    camera_embedding = 0.01 * jax.random.normal(k4, (CAM, C), dtype=jnp.float32)
    view_embedding = 0.01 * jax.random.normal(k5, (VIEW, C), dtype=jnp.float32)
    return {"x": x, "cam_label": cam_label, "view_label": view_label,
            "camera_embedding": camera_embedding, "view_embedding": view_embedding}

def reference(x, cam_label, view_label, camera_embedding, view_embedding):
    # x: [B, C]; gather per-sample camera and view embeddings and add scaled.
    out = x + SIE_XISHU * jnp.take(camera_embedding, cam_label, axis=0)
    out = out + SIE_XISHU * jnp.take(view_embedding, view_label, axis=0)
    return out

if __name__ == "__main__":
    import jax
    _d = setup_inputs()
    print(jax.jit(kernel)(*tuple(_d.values())))

</pallas_src>

<mosaic_0001>
#map = affine_map<(d0, d1) -> (0, 0, 0)>
#map1 = affine_map<(d0, d1) -> (0, 0)>
module attributes {stable_mosaic.version = 14 : i64} {
  func.func @_sie_body(%arg0: i32, %arg1: i32, %arg2: memref<32x512x128xf32, #tpu.memory_space<hbm>>, %arg3: memref<32x512xi32, #tpu.memory_space<hbm>>, %arg4: memref<32x512xi32, #tpu.memory_space<hbm>>, %arg5: memref<1000x128xf32, #tpu.memory_space<hbm>>, %arg6: memref<100x128xf32, #tpu.memory_space<hbm>>, %arg7: memref<32x512x128xf32, #tpu.memory_space<hbm>>, %arg8: memref<512xi32, #tpu.memory_space<vmem>>, %arg9: memref<512xi32, #tpu.memory_space<vmem>>, %arg10: memref<100x128xf32, #tpu.memory_space<vmem_shared>>, %arg11: memref<512x128xf32, #tpu.memory_space<vmem>>, %arg12: memref<!tpu.dma_semaphore, #tpu.memory_space<semaphore_mem>>, %arg13: memref<!tpu.dma_semaphore, #tpu.memory_space<semaphore_mem>>, %arg14: memref<!tpu.dma_semaphore, #tpu.memory_space<semaphore_mem>>, %arg15: memref<!tpu.dma_semaphore, #tpu.memory_space<semaphore_mem>>, %arg16: memref<!tpu.dma_semaphore, #tpu.memory_space<semaphore_mem>>) attributes {dimension_semantics = [#tpu.dimension_semantics<core_parallel>, #tpu.dimension_semantics<subcore_parallel>], iteration_bounds = array<i64: 2, 16>, scalar_prefetch = 0 : i64, scratch_operands = 9 : i64, tpu.core_type = #tpu.core_type<sc_vector_subcore>, window_params = [{transform_indices = #map}, {transform_indices = #map1}, {transform_indices = #map1}, {transform_indices = #map1}, {transform_indices = #map1}, {transform_indices = #map}]} {
    %mul3A = arith.constant 2 : i32
    %mul3A_0 = arith.muli %arg1, %mul3A : i32
    %add3A = arith.addi %mul3A_0, %arg0 : i32
    %dma_start3A = arith.constant 0 : i32
    %dma_start3A_1 = tpu.memref_slice %arg3[%add3A, %dma_start3A] : memref<32x512xi32, #tpu.memory_space<hbm>> -> memref<1x512xi32, #tpu.memory_space<hbm>>
    %dma_start3A_2 = tpu.memref_squeeze %dma_start3A_1 : memref<1x512xi32, #tpu.memory_space<hbm>> -> memref<512xi32, #tpu.memory_space<hbm>>
    %dma_start3A_3 = arith.constant 0 : i32
    %dma_start3A_4 = tpu.memref_slice %arg3[%add3A, %dma_start3A_3] : memref<32x512xi32, #tpu.memory_space<hbm>> -> memref<1x512xi32, #tpu.memory_space<hbm>>
    %dma_start3A_5 = tpu.memref_squeeze %dma_start3A_4 : memref<1x512xi32, #tpu.memory_space<hbm>> -> memref<512xi32, #tpu.memory_space<hbm>>
    tpu.enqueue_dma source(%dma_start3A_5 : memref<512xi32, #tpu.memory_space<hbm>>) target(%arg8 : memref<512xi32, #tpu.memory_space<vmem>>) target_semaphore(%arg12 : memref<!tpu.dma_semaphore, #tpu.memory_space<semaphore_mem>>)
    %dma_start3A_6 = arith.constant 0 : i32
    %dma_start3A_7 = tpu.memref_slice %arg4[%add3A, %dma_start3A_6] : memref<32x512xi32, #tpu.memory_space<hbm>> -> memref<1x512xi32, #tpu.memory_space<hbm>>
    %dma_start3A_8 = tpu.memref_squeeze %dma_start3A_7 : memref<1x512xi32, #tpu.memory_space<hbm>> -> memref<512xi32, #tpu.memory_space<hbm>>
    %dma_start3A_9 = arith.constant 0 : i32
    %dma_start3A_10 = tpu.memref_slice %arg4[%add3A, %dma_start3A_9] : memref<32x512xi32, #tpu.memory_space<hbm>> -> memref<1x512xi32, #tpu.memory_space<hbm>>
    %dma_start3A_11 = tpu.memref_squeeze %dma_start3A_10 : memref<1x512xi32, #tpu.memory_space<hbm>> -> memref<512xi32, #tpu.memory_space<hbm>>
    tpu.enqueue_dma source(%dma_start3A_11 : memref<512xi32, #tpu.memory_space<hbm>>) target(%arg9 : memref<512xi32, #tpu.memory_space<vmem>>) target_semaphore(%arg12 : memref<!tpu.dma_semaphore, #tpu.memory_space<semaphore_mem>>)
    %dma_start3A_12 = arith.constant 0 : i32
    %dma_start3A_13 = arith.constant 0 : i32
    %dma_start3A_14 = tpu.memref_slice %arg2[%add3A, %dma_start3A_12, %dma_start3A_13] : memref<32x512x128xf32, #tpu.memory_space<hbm>> -> memref<1x512x128xf32, #tpu.memory_space<hbm>>
    %dma_start3A_15 = tpu.memref_squeeze %dma_start3A_14 : memref<1x512x128xf32, #tpu.memory_space<hbm>> -> memref<512x128xf32, #tpu.memory_space<hbm>>
    %dma_start3A_16 = arith.constant 0 : i32
    %dma_start3A_17 = arith.constant 0 : i32
    %dma_start3A_18 = tpu.memref_slice %arg2[%add3A, %dma_start3A_16, %dma_start3A_17] : memref<32x512x128xf32, #tpu.memory_space<hbm>> -> memref<1x512x128xf32, #tpu.memory_space<hbm>>
    %dma_start3A_19 = tpu.memref_squeeze %dma_start3A_18 : memref<1x512x128xf32, #tpu.memory_space<hbm>> -> memref<512x128xf32, #tpu.memory_space<hbm>>
    tpu.enqueue_dma source(%dma_start3A_19 : memref<512x128xf32, #tpu.memory_space<hbm>>) target(%arg11 : memref<512x128xf32, #tpu.memory_space<vmem>>) target_semaphore(%arg14 : memref<!tpu.dma_semaphore, #tpu.memory_space<semaphore_mem>>)
    %lt3A = arith.constant 3 : i32
    %lt3A_20 = arith.cmpi slt, %arg1, %lt3A : i32
    %convert_element_type3A = arith.extui %lt3A_20 : i1 to i32
    %cond3A = arith.constant 0 : i32
    %cond3A_21 = arith.cmpi ne, %convert_element_type3A, %cond3A : i32
    scf.if %cond3A_21 {
      %mul3A_57 = arith.constant 32 : i32
      %mul3A_58 = arith.muli %arg1, %mul3A_57 : i32
      %multiple_of3A = tpu.assume_multiple %mul3A_58, 32 : i32
      "tpu.region"() ({
        %run_scoped3A = tpu.sem_alloc : memref<!tpu.dma_semaphore, #tpu.memory_space<semaphore_mem>>
        %dma_start3A_59 = arith.constant 0 : i32
        %dma_start3A_60 = tpu.memref_slice %arg10[%multiple_of3A, %dma_start3A_59] : memref<100x128xf32, #tpu.memory_space<vmem_shared>> -> memref<32x128xf32, #tpu.memory_space<vmem_shared>>
        %dma_start3A_61 = arith.constant 0 : i32
        %dma_start3A_62 = tpu.memref_slice %arg6[%multiple_of3A, %dma_start3A_61] : memref<100x128xf32, #tpu.memory_space<hbm>> -> memref<32x128xf32, #tpu.memory_space<hbm>>
        tpu.enqueue_dma source(%dma_start3A_62 : memref<32x128xf32, #tpu.memory_space<hbm>>) target(%dma_start3A_60 : memref<32x128xf32, #tpu.memory_space<vmem_shared>>) target_semaphore(%run_scoped3A : memref<!tpu.dma_semaphore, #tpu.memory_space<semaphore_mem>>)
        %dma_wait3A_63 = arith.constant 0 : i32
        %dma_wait3A_64 = tpu.memref_slice %arg10[%multiple_of3A, %dma_wait3A_63] : memref<100x128xf32, #tpu.memory_space<vmem_shared>> -> memref<32x128xf32, #tpu.memory_space<vmem_shared>>
        %dma_wait3A_65 = arith.constant 0 : i32
        %dma_wait3A_66 = tpu.memref_slice %arg6[%multiple_of3A, %dma_wait3A_65] : memref<100x128xf32, #tpu.memory_space<hbm>> -> memref<32x128xf32, #tpu.memory_space<hbm>>
        tpu.wait_dma2 semaphore(%run_scoped3A : memref<!tpu.dma_semaphore, #tpu.memory_space<semaphore_mem>>) src(%dma_wait3A_66 : memref<32x128xf32, #tpu.memory_space<hbm>>) dst(%dma_wait3A_64 : memref<32x128xf32, #tpu.memory_space<vmem_shared>>)
        tpu.yield
      }) : () -> ()
    } else {
    }
    %eq3A = arith.constant 3 : i32
    %eq3A_22 = arith.cmpi eq, %arg1, %eq3A : i32
    %convert_element_type3A_23 = arith.extui %eq3A_22 : i1 to i32
    %cond3A_24 = arith.constant 0 : i32
    %cond3A_25 = arith.cmpi ne, %convert_element_type3A_23, %cond3A_24 : i32
    scf.if %cond3A_25 {
      "tpu.region"() ({
        %run_scoped3A = tpu.sem_alloc : memref<!tpu.dma_semaphore, #tpu.memory_space<semaphore_mem>>
        %dma_start3A_57 = arith.constant 96 : i32
        %dma_start3A_58 = arith.constant 0 : i32
        %dma_start3A_59 = tpu.memref_slice %arg10[%dma_start3A_57, %dma_start3A_58] : memref<100x128xf32, #tpu.memory_space<vmem_shared>> -> memref<4x128xf32, #tpu.memory_space<vmem_shared>>
        %dma_start3A_60 = arith.constant 96 : i32
        %dma_start3A_61 = arith.constant 0 : i32
        %dma_start3A_62 = tpu.memref_slice %arg6[%dma_start3A_60, %dma_start3A_61] : memref<100x128xf32, #tpu.memory_space<hbm>> -> memref<4x128xf32, #tpu.memory_space<hbm>>
        tpu.enqueue_dma source(%dma_start3A_62 : memref<4x128xf32, #tpu.memory_space<hbm>>) target(%dma_start3A_59 : memref<4x128xf32, #tpu.memory_space<vmem_shared>>) target_semaphore(%run_scoped3A : memref<!tpu.dma_semaphore, #tpu.memory_space<semaphore_mem>>)
        %dma_wait3A_63 = arith.constant 96 : i32
        %dma_wait3A_64 = arith.constant 0 : i32
        %dma_wait3A_65 = tpu.memref_slice %arg10[%dma_wait3A_63, %dma_wait3A_64] : memref<100x128xf32, #tpu.memory_space<vmem_shared>> -> memref<4x128xf32, #tpu.memory_space<vmem_shared>>
        %dma_wait3A_66 = arith.constant 96 : i32
        %dma_wait3A_67 = arith.constant 0 : i32
        %dma_wait3A_68 = tpu.memref_slice %arg6[%dma_wait3A_66, %dma_wait3A_67] : memref<100x128xf32, #tpu.memory_space<hbm>> -> memref<4x128xf32, #tpu.memory_space<hbm>>
        tpu.wait_dma2 semaphore(%run_scoped3A : memref<!tpu.dma_semaphore, #tpu.memory_space<semaphore_mem>>) src(%dma_wait3A_68 : memref<4x128xf32, #tpu.memory_space<hbm>>) dst(%dma_wait3A_65 : memref<4x128xf32, #tpu.memory_space<vmem_shared>>)
        tpu.yield
      }) : () -> ()
    } else {
    }
    %dma_wait3A = arith.constant 0 : i32
    %dma_wait3A_26 = tpu.memref_slice %arg3[%add3A, %dma_wait3A] : memref<32x512xi32, #tpu.memory_space<hbm>> -> memref<1x512xi32, #tpu.memory_space<hbm>>
    %dma_wait3A_27 = tpu.memref_squeeze %dma_wait3A_26 : memref<1x512xi32, #tpu.memory_space<hbm>> -> memref<512xi32, #tpu.memory_space<hbm>>
    %dma_wait3A_28 = arith.constant 0 : i32
    %dma_wait3A_29 = tpu.memref_slice %arg3[%add3A, %dma_wait3A_28] : memref<32x512xi32, #tpu.memory_space<hbm>> -> memref<1x512xi32, #tpu.memory_space<hbm>>
    %dma_wait3A_30 = tpu.memref_squeeze %dma_wait3A_29 : memref<1x512xi32, #tpu.memory_space<hbm>> -> memref<512xi32, #tpu.memory_space<hbm>>
    tpu.wait_dma2 semaphore(%arg12 : memref<!tpu.dma_semaphore, #tpu.memory_space<semaphore_mem>>) src(%dma_wait3A_30 : memref<512xi32, #tpu.memory_space<hbm>>) dst(%arg8 : memref<512xi32, #tpu.memory_space<vmem>>)
    %dma_wait3A_31 = arith.constant 0 : i32
    %dma_wait3A_32 = tpu.memref_slice %arg4[%add3A, %dma_wait3A_31] : memref<32x512xi32, #tpu.memory_space<hbm>> -> memref<1x512xi32, #tpu.memory_space<hbm>>
    %dma_wait3A_33 = tpu.memref_squeeze %dma_wait3A_32 : memref<1x512xi32, #tpu.memory_space<hbm>> -> memref<512xi32, #tpu.memory_space<hbm>>
    %dma_wait3A_34 = arith.constant 0 : i32
    %dma_wait3A_35 = tpu.memref_slice %arg4[%add3A, %dma_wait3A_34] : memref<32x512xi32, #tpu.memory_space<hbm>> -> memref<1x512xi32, #tpu.memory_space<hbm>>
    %dma_wait3A_36 = tpu.memref_squeeze %dma_wait3A_35 : memref<1x512xi32, #tpu.memory_space<hbm>> -> memref<512xi32, #tpu.memory_space<hbm>>
    tpu.wait_dma2 semaphore(%arg12 : memref<!tpu.dma_semaphore, #tpu.memory_space<semaphore_mem>>) src(%dma_wait3A_36 : memref<512xi32, #tpu.memory_space<hbm>>) dst(%arg9 : memref<512xi32, #tpu.memory_space<vmem>>)
    %dma_wait3A_37 = arith.constant 0 : i32
    %dma_wait3A_38 = arith.constant 0 : i32
    %dma_wait3A_39 = tpu.memref_slice %arg2[%add3A, %dma_wait3A_37, %dma_wait3A_38] : memref<32x512x128xf32, #tpu.memory_space<hbm>> -> memref<1x512x128xf32, #tpu.memory_space<hbm>>
    %dma_wait3A_40 = tpu.memref_squeeze %dma_wait3A_39 : memref<1x512x128xf32, #tpu.memory_space<hbm>> -> memref<512x128xf32, #tpu.memory_space<hbm>>
    %dma_wait3A_41 = arith.constant 0 : i32
    %dma_wait3A_42 = arith.constant 0 : i32
    %dma_wait3A_43 = tpu.memref_slice %arg2[%add3A, %dma_wait3A_41, %dma_wait3A_42] : memref<32x512x128xf32, #tpu.memory_space<hbm>> -> memref<1x512x128xf32, #tpu.memory_space<hbm>>
    %dma_wait3A_44 = tpu.memref_squeeze %dma_wait3A_43 : memref<1x512x128xf32, #tpu.memory_space<hbm>> -> memref<512x128xf32, #tpu.memory_space<hbm>>
    tpu.wait_dma2 semaphore(%arg14 : memref<!tpu.dma_semaphore, #tpu.memory_space<semaphore_mem>>) src(%dma_wait3A_44 : memref<512x128xf32, #tpu.memory_space<hbm>>) dst(%arg11 : memref<512x128xf32, #tpu.memory_space<vmem>>)
    %dma_start3A_45 = arith.constant 0 : i32
    %dma_start3A_46 = arith.constant 0 : i32
    %dma_start3A_47 = tpu.memref_slice %arg5[%dma_start3A_45, %dma_start3A_46] : memref<1000x128xf32, #tpu.memory_space<hbm>> -> memref<1000x128xf32, #tpu.memory_space<hbm>>
    tpu.enqueue_indirect_dma source(%dma_start3A_47 : memref<1000x128xf32, #tpu.memory_space<hbm>>) target(%arg11 : memref<512x128xf32, #tpu.memory_space<vmem>>) offsets(%arg8 : memref<512xi32, #tpu.memory_space<vmem>>) semaphore(%arg15 : memref<!tpu.dma_semaphore, #tpu.memory_space<semaphore_mem>>) {add = true}
    %barrier3A = arith.constant 0 : index
    tpu.barrier barrier_id(%barrier3A)
    %dma_start3A_48 = arith.constant 0 : i32
    %dma_start3A_49 = arith.constant 0 : i32
    %dma_start3A_50 = tpu.memref_slice %arg10[%dma_start3A_48, %dma_start3A_49] : memref<100x128xf32, #tpu.memory_space<vmem_shared>> -> memref<100x128xf32, #tpu.memory_space<vmem_shared>>
    tpu.enqueue_indirect_dma source(%dma_start3A_50 : memref<100x128xf32, #tpu.memory_space<vmem_shared>>) target(%arg11 : memref<512x128xf32, #tpu.memory_space<vmem>>) offsets(%arg9 : memref<512xi32, #tpu.memory_space<vmem>>) semaphore(%arg16 : memref<!tpu.dma_semaphore, #tpu.memory_space<semaphore_mem>>) {add = true}
    %dma_wait3A_51 = arith.constant 0 : i32
    %dma_wait3A_52 = arith.constant 0 : i32
    %dma_wait3A_53 = tpu.memref_slice %arg5[%dma_wait3A_51, %dma_wait3A_52] : memref<1000x128xf32, #tpu.memory_space<hbm>> -> memref<1000x128xf32, #tpu.memory_space<hbm>>
    tpu.wait_indirect_dma semaphore(%arg15 : memref<!tpu.dma_semaphore, #tpu.memory_space<semaphore_mem>>) src(%dma_wait3A_53 : memref<1000x128xf32, #tpu.memory_space<hbm>>) dst(%arg11 : memref<512x128xf32, #tpu.memory_space<vmem>>)
    %dma_wait3A_54 = arith.constant 0 : i32
    %dma_wait3A_55 = arith.constant 0 : i32
    %dma_wait3A_56 = tpu.memref_slice %arg10[%dma_wait3A_54, %dma_wait3A_55] : memref<100x128xf32, #tpu.memory_space<vmem_shared>> -> memref<100x128xf32, #tpu.memory_space<vmem_shared>>
    tpu.wait_indirect_dma semaphore(%arg16 : memref<!tpu.dma_semaphore, #tpu.memory_space<semaphore_mem>>) src(%dma_wait3A_56 : memref<100x128xf32, #tpu.memory_space<vmem_shared>>) dst(%arg11 : memref<512x128xf32, #tpu.memory_space<vmem>>)
    "tpu.region"() ({
      %run_scoped3A = tpu.sem_alloc : memref<!tpu.dma_semaphore, #tpu.memory_space<semaphore_mem>>
      %dma_start3A_57 = arith.constant 0 : i32
      %dma_start3A_58 = arith.constant 0 : i32
      %dma_start3A_59 = tpu.memref_slice %arg7[%add3A, %dma_start3A_57, %dma_start3A_58] : memref<32x512x128xf32, #tpu.memory_space<hbm>> -> memref<1x512x128xf32, #tpu.memory_space<hbm>>
      %dma_start3A_60 = tpu.memref_squeeze %dma_start3A_59 : memref<1x512x128xf32, #tpu.memory_space<hbm>> -> memref<512x128xf32, #tpu.memory_space<hbm>>
      %dma_start3A_61 = arith.constant 0 : i32
      %dma_start3A_62 = arith.constant 0 : i32
      %dma_start3A_63 = tpu.memref_slice %arg7[%add3A, %dma_start3A_61, %dma_start3A_62] : memref<32x512x128xf32, #tpu.memory_space<hbm>> -> memref<1x512x128xf32, #tpu.memory_space<hbm>>
      %dma_start3A_64 = tpu.memref_squeeze %dma_start3A_63 : memref<1x512x128xf32, #tpu.memory_space<hbm>> -> memref<512x128xf32, #tpu.memory_space<hbm>>
      tpu.enqueue_dma source(%arg11 : memref<512x128xf32, #tpu.memory_space<vmem>>) target(%dma_start3A_64 : memref<512x128xf32, #tpu.memory_space<hbm>>) target_semaphore(%run_scoped3A : memref<!tpu.dma_semaphore, #tpu.memory_space<semaphore_mem>>)
      %dma_wait3A_65 = arith.constant 0 : i32
      %dma_wait3A_66 = arith.constant 0 : i32
      %dma_wait3A_67 = tpu.memref_slice %arg7[%add3A, %dma_wait3A_65, %dma_wait3A_66] : memref<32x512x128xf32, #tpu.memory_space<hbm>> -> memref<1x512x128xf32, #tpu.memory_space<hbm>>
      %dma_wait3A_68 = tpu.memref_squeeze %dma_wait3A_67 : memref<1x512x128xf32, #tpu.memory_space<hbm>> -> memref<512x128xf32, #tpu.memory_space<hbm>>
      %dma_wait3A_69 = arith.constant 0 : i32
      %dma_wait3A_70 = arith.constant 0 : i32
      %dma_wait3A_71 = tpu.memref_slice %arg7[%add3A, %dma_wait3A_69, %dma_wait3A_70] : memref<32x512x128xf32, #tpu.memory_space<hbm>> -> memref<1x512x128xf32, #tpu.memory_space<hbm>>
      %dma_wait3A_72 = tpu.memref_squeeze %dma_wait3A_71 : memref<1x512x128xf32, #tpu.memory_space<hbm>> -> memref<512x128xf32, #tpu.memory_space<hbm>>
      tpu.wait_dma2 semaphore(%run_scoped3A : memref<!tpu.dma_semaphore, #tpu.memory_space<semaphore_mem>>) src(%arg11 : memref<512x128xf32, #tpu.memory_space<vmem>>) dst(%dma_wait3A_72 : memref<512x128xf32, #tpu.memory_space<hbm>>)
      tpu.yield
    }) : () -> ()
    return
  }
}

</mosaic_0001>

<sc_bundles>
// kernel: _sie.3.cloned.1.call-start
scs
__scs_entry_jumppad:
0x0: {  	(pc) =	sbr.rel $0x88, $3  }
0x1: {  	(tag) =	ssettag $0x0;
	lr =	simm.s32 $0x1  }
0x2: {  	[smem:$0x3F9C] =	sst lr;
	_ =	strace $0xD0000000  }
0x3: {  	_ = 	snop  }
0x4: {  	_ = 	snop  }
0x5: {  	_ = 	snop  }
0x6: {  	_ = 	snop  }
0x7: {  	_ = 	snop  }
__scs_overlays_trampoline_lowered:
0x8: {  	[smem:$0x3FAB] =	sst s0  }
0x9: {  	[smem:$0x3FAC] =	sst s1  }
0xa: {  	[smem:$0x3FAD] =	sst s2  }
0xb: {  	[smem:$0x3FAE] =	sst s3  }
0xc: {  	[smem:$0x3FAF] =	sst s4  }
0xd: {  	[smem:$0x3FB0] =	sst s5  }
0xe: {  	[smem:$0x3FB1] =	sst s6  }
0xf: {  	[smem:$0x3FB2] =	sst s7  }
0x10: {  	[smem:$0x3FB3] =	sst s8  }
0x11: {  	[smem:$0x3FB4] =	sst s9;
	s0 =	simm.s32 @!p0 $0x0  }
0x12: {  	s1 =	sld [smem:$0x3F9A];
	s0 =	simm.s32 @p0 $0x1  }
0x13: {  	[smem:$0x3FB5] =	sst s0;
	s0 =	simm.s32 @!p1 $0x0  }
0x14: {  	s2 =	sld [smem:$0x3F99];
	s0 =	simm.s32 @p1 $0x1  }
0x15: {  	[smem:$0x3FB6] =	sst s0;
	s0 =	simm.s32 @!p2 $0x0  }
0x16: {  	s3 =	sld [smem:$0x3FDB];
	s0 =	simm.s32 @p2 $0x1  }
0x17: {  	s4 =	simm.s32 $0x1BF5;
	[smem:$0x3FB8] =	sst s0  }
0x18: {  	s0 =	sld [smem:$0x3F9B];
	_ =	swait.ge [sflag:s4], $0x0  }
0x19: {  	s7 =	sld [smem:$0x3F9C]  }
0x1a: {  	s8 =	sadd.s32 $0xFFFFE003, lr  }
0x1b: {  	s9 =	sadd.s32 $0xFFFFFEF7, lr;
	s5 =	simm.s32 $0xFFFFFFFF;
	p2 =	slt.u32 s8, $0xFFFFF086  }
0x1c: {  	p1 =	slt.u32 s9, $0xF7A;
	s5 =	simm.s32 @!p2 $0x0  }
0x1d: {  	s5 =	simm.s32 @p1 $0x1;
	p0 =	seq.s32 s7, s2  }
0x1e: {  	s7 =	smul.u32 @!p0 $0xF7A, s2;
	p2 =	seq.s32 @!p0 s5, $0x0  }
0x1f: {  	s9 =	smul.u32 $0xF7A, s1;
	s8 =	simm.s32 @!p0 $0x1BF5;
	p2 =	por !p2, p0  }
0x20: {  	[sflag:s8] =	ssyncset.s32 @!p0 $0xFFFFF086;
	s6 =	sadd.s32 @!p0 s3, s7;
	s7 =	simm.s32 @!p0 $0x108  }
0x21: {  	s3 =	sadd.s32 s3, s9;
	s6 =	sadd.s32 @!p0 $0x88, s6;
	s7 =	simm.s32 @p2 $0x1082  }
0x22: {  	[simem:s7], [sflag:s8] =	dma.local @!p0 [hbm:s6], $0xF7A  }
0x23: {  	s9 =	sor.u32 $0xD0000000, s2;
	s6 =	simm.s32 $0x108;
	_ =	swait.ge @!p0 [sflag:s8], $0x0  }
0x24: {  	s3 =	sadd.s32 $0x88, s3;
	s6 =	simm.s32 @!p1 $0x1082;
	[sflag:s4] =	ssyncset.s32 $0xFFFFF086  }
0x25: {  	[simem:s6], [sflag:s4] =	dma.local [hbm:s3], $0xF7A  }
0x26: {  	[smem:$0x3F9C] =	sst s1;
	(tag) =	ssettag s2;
	_ =	strace s9  }
0x27: {  	s1 =	sld [smem:$0x3FAC]  }
0x28: {  	s2 =	sld [smem:$0x3FAD]  }
0x29: {  	s4 =	sld [smem:$0x3FAF]  }
0x2a: {  	p0 =	seq.s32 s5, $0x0;
	s5 =	sld [smem:$0x3FB0]  }
0x2b: {  	s6 =	sld [smem:$0x3FB1]  }
0x2c: {  	s7 =	sld [smem:$0x3FB2]  }
0x2d: {  	s3 =	simm.s32 $0x108;
	s8 =	sld [smem:$0x3FB3]  }
0x2e: {  	s3 =	simm.s32 @!p0 $0x1082;
	s9 =	sld [smem:$0x3FB4]  }
0x2f: {  	lr =	sadd.s32 s0, s3;
	s0 =	sld [smem:$0x3FAB]  }
0x30: {  	s3 =	sld [smem:$0x3FAE]  }
0x31: {  	[smem:$0x3FB7] =	sst s10  }
0x32: {  	s10 =	sld [smem:$0x3FB5];
	_ =	sdelay $0x3  }
0x33: {  	p0 =	seq.s32 s10, $0x1;
	s10 =	sld [smem:$0x3FB7];
	_ =	sdelay $0x3  }
0x34: {  	[smem:$0x3FB7] =	sst s10  }
0x35: {  	s10 =	sld [smem:$0x3FB6];
	_ =	sdelay $0x3  }
0x36: {  	p1 =	seq.s32 s10, $0x1;
	s10 =	sld [smem:$0x3FB7];
	_ =	sdelay $0x3  }
0x37: {  	[smem:$0x3FB7] =	sst s10  }
0x38: {  	s10 =	sld [smem:$0x3FB8]  }
0x39: {  	_ = 	snop;
	(pc) =	sbr.ind lr, $3  }
0x3a: {  	_ = 	snop  }
0x3b: {  	_ = 	snop  }
0x3c: {  	p2 =	seq.s32 s10, $0x1;
	s10 =	sld [smem:$0x3FB7]  }
0x3d: {  	_ =	shalt  }
0x3e: {  	_ =	shalt  }
0x3f: {  	_ =	shalt  }
0x40: {  	_ =	shalt  }
0x41: {  	_ =	shalt  }
0x42: {  	_ =	shalt  }
0x43: {  	_ =	shalt  }
0x44: {  	_ =	shalt  }
0x45: {  	_ =	shalt  }
0x46: {  	_ =	shalt  }
0x47: {  	_ =	shalt  }
0x48: {  	_ =	shalt  }
0x49: {  	_ =	shalt  }
0x4a: {  	_ =	shalt  }
0x4b: {  	_ =	shalt  }
0x4c: {  	_ =	shalt  }
0x4d: {  	_ =	shalt  }
0x4e: {  	_ =	shalt  }
0x4f: {  	_ =	shalt  }
0x50: {  	_ =	shalt  }
0x51: {  	_ =	shalt  }
0x52: {  	_ =	shalt  }
0x53: {  	_ =	shalt  }
0x54: {  	_ =	shalt  }
0x55: {  	_ =	shalt  }
0x56: {  	_ =	shalt  }
0x57: {  	_ =	shalt  }
0x58: {  	_ =	shalt  }
0x59: {  	_ =	shalt  }
0x5a: {  	_ =	shalt  }
0x5b: {  	_ =	shalt  }
0x5c: {  	_ =	shalt  }
0x5d: {  	_ =	shalt  }
0x5e: {  	_ =	shalt  }
0x5f: {  	_ =	shalt  }
0x60: {  	_ =	shalt  }
0x61: {  	_ =	shalt  }
0x62: {  	_ =	shalt  }
0x63: {  	_ =	shalt  }
0x64: {  	_ =	shalt  }
0x65: {  	_ =	shalt  }
0x66: {  	_ =	shalt  }
0x67: {  	_ =	shalt  }
0x68: {  	_ =	shalt  }
0x69: {  	_ =	shalt  }
0x6a: {  	_ =	shalt  }
0x6b: {  	_ =	shalt  }
0x6c: {  	_ =	shalt  }
0x6d: {  	_ =	shalt  }
0x6e: {  	_ =	shalt  }
0x6f: {  	_ =	shalt  }
0x70: {  	_ =	shalt  }
0x71: {  	_ =	shalt  }
0x72: {  	_ =	shalt  }
0x73: {  	_ =	shalt  }
0x74: {  	_ =	shalt  }
0x75: {  	_ =	shalt  }
0x76: {  	_ =	shalt  }
0x77: {  	_ =	shalt  }
0x78: {  	_ =	shalt  }
0x79: {  	_ =	shalt  }
0x7a: {  	_ =	shalt  }
0x7b: {  	_ =	shalt  }
0x7c: {  	_ =	shalt  }
0x7d: {  	_ =	shalt  }
0x7e: {  	_ =	shalt  }
0x7f: {  	_ =	shalt  }
0x80: {  	_ =	shalt  }
0x81: {  	_ =	shalt  }
0x82: {  	_ =	shalt  }
0x83: {  	_ =	shalt  }
0x84: {  	_ =	shalt  }
0x85: {  	_ =	shalt  }
0x86: {  	_ =	shalt  }
0x87: {  	_ =	shalt  }
.Lfunc_end0:
.L_simem_size_0:
called_computation_lowered:
.L_overlay_start_0:
0x88: {  	s2 =	sld [smem:$0x3FD9]  }
0x89: {  	s3 =	sld [smem:$0x3FFE];
	_ =	sdelay $0x1  }
0x8a: {  	s1 =	srdreg.scid  }
0x8b: {  	s0 =	sand.u32 $0x1, s1  }
0x8c: {  	s17 =	sshll.u32 s0, $0xA;
	s2 =	sadd.s32 s3, s2  }
0x8d: {  	s2 =	sadd.s32 s2, s17  }
0x8e: {  	[smem:$0x3FC3] =	sst s2  }
0x8f: {  	_ = 	snop  }
0x90: {  	s2 =	sld [smem:$0x3FC9]  }
0x91: {  	s18 =	sld [smem:$0x3FC6]  }
0x92: {  	s4 =	sld [smem:$0x3FC5]  }
0x93: {  	s5 =	sld [smem:$0x3FD0];
	(tm) =	ssettm $0x1  }
0x94: {  	s6 =	sld [smem:$0x3FFB];
	_ =	sdelay $0x3  }
0x95: {  	_ =	strace s6  }
0x96: {  	s6 =	sld [smem:$0x3FFC];
	_ =	sdelay $0x3  }
0x97: {  	_ =	strace s6  }
0x98: {  	s6 =	sld [smem:$0x3FFD];
	_ =	sdelay $0x3  }
0x99: {  	_ =	strace s6  }
0x9a: {  	_ =	strace $0x8FFFFFFF  }
0x9b: {  	s19 =	sld [smem:$0x3FDB];
	_ =	sdelay $0x1  }
0x9c: {  	s7 =	simm.s32 $_scs_section_size  }
0x9d: {  	s8 =	simm.s32 $_size__tile_overlayer_lowered;
	s9 =	simm.s32 $_tile_overlayer_lowered  }
0x9e: {  	s22 =	simm.s32 $0x1BFF;
	s21 =	sshll.u32 s9, $0x1;
	s6 =	sadd.s32 s7, s19  }
0x9f: {  	s10 =	simm.s32 $0x0;
	s20 =	sshll.u32 s8, $0x1;
	s8 =	sadd.s32 s21, s6  }
0xa0: {  	[timem:s10], [sflag:s22] =	dma.local [hbm:s8], s20  }
0xa1: {  	_ =	swait.ge [sflag:s22], s20  }
0xa2: {  	s7 =	ssub.s32 $0x0, s20;
	[sflag:s22] =	ssyncset.done $0x0  }
0xa3: {  	[sflag:s22] =	ssyncadd.s32 s7;
	_ =	sdelay $0x1  }
0xa4: {  	s23 =	simm.s32 $0x1B8B  }
0xa5: {  	_ =	swait.ge [sflag:s23], $0x1  }
0xa6: {  	[sflag:s23] =	ssyncset.done $0x0  }
0xa7: {  	s25 =	simm.s32 $0x1B8E;
	s24 =	sld [smem:$0x3FFE];
	[sflag:s23] =	ssyncadd.s32 $0xFFFFFFFF  }
0xa8: {  	s26 =	simm.s32 $execute0_lowered;
	[smem:$0x3FD2] =	sst s25  }
0xa9: {  	s8 =	sshll.u32 s26, $0x1;
	_ =	strace $0x80000046;
	[dreg:$0x1] =	wrdreg $0xFFFFFFFF  }
0xaa: {  	s28 =	simm.s32 $_size_execute0_lowered;
	s6 =	sadd.s32 s6, s8;
	[dreg:$0x0] =	wrdreg $0x0  }
0xab: {  	s8 =	sshll.u32 s28, $0x1;
	[dreg:$0x2] =	wrdreg s6  }
0xac: {  	[dreg:$0x3] =	wrdreg s8  }
0xad: {  	[dreg:$0x4] =	wrdreg $0xC0  }
0xae: {  	_ =	task [dreg:s10], $0x5FFFF  }
0xaf: {  	[dreg:$0x1] =	wrdreg $0xFFFFFFFF  }
0xb0: {  	[dreg:$0x0] =	wrdreg $0x60  }
0xb1: {  	[dreg:$0x2] =	wrdreg s2  }
0xb2: {  	[dreg:$0x3] =	wrdreg s24  }
0xb3: {  	[dreg:$0x4] =	wrdreg s18  }
0xb4: {  	[dreg:$0x5] =	wrdreg s4  }
0xb5: {  	[dreg:$0x6] =	wrdreg s5  }
0xb6: {  	[dreg:$0x7] =	wrdreg $0x4000  }
0xb7: {  	[dreg:$0x8] =	wrdreg $0x9  }
0xb8: {  	_ =	task.clear_ibuf [dreg:s10], $0x9FFFF;
	_ =	strace $0x90000046  }
0xb9: {  	s29 =	simm.s32 $0x9;
	_ =	strace $0x80000048  }
0xba: {  	_ =	swait.ge [sflag:s29], $0x1  }
0xbb: {  	[sflag:s29] =	ssyncadd.s32 $0xFFFFFFFF  }
0xbc: {  	_ =	strace $0x90000048  }
0xbd: {  	_ =	sfence  }
0xbe: {  	s30 =	sld [smem:$0x0];
	_ =	sdelay $0x2  }
0xbf: {  	s31 =	sshll.u32 s1, $0xD;
	s1 =	sshrl.u32 s1, $0x2  }
0xc0: {  	s3 =	sand.u32 $0x4000, s31;
	s1 =	sadd.s32 s1, s30  }
0xc1: {  	s0 =	sor.u32 s3, s0;
	s1 =	sshll.u32 s1, $0x11  }
0xc2: {  	s0 =	sor.u32 s1, s0  }
0xc3: {  	s0 =	sadd.s32 $0x8F2B, s0  }
0xc4: {  	[sflag:s0] =	ssyncadd.remote.s32 $0x1  }
0xc5: {  	_ =	sfence.sel $0xFFFF  }
0xc6: {  	[dreg:$0x0] =	wrdreg $0xFFFFFFFF;
	(pc) =	sbr.abs _section_cstart, $3  }
0xc7: {  	[dreg:$0x1] =	wrdreg $0xFFFFFFFF  }
0xc8: {  	_ =	task.clear_ibuf [dreg:s10], $0x2FFFF;
	_ =	strace $0x9FFFFFFF  }
0xc9: {  	(tm) =	ssettm $0x7FFFFFFF  }
tec
execute0_lowered:
.L_overlay_start_1:
0x0: {  	(tag) =	ssettag $0x1  }
0x1: {  	s7 =	rddreg [dreg:$0x0]  }
0x2: {  	s5 =	rddreg [dreg:$0x1]  }
0x3: {  	s1 =	rddreg [dreg:$0x2]  }
0x4: {  	s16 =	rddreg [dreg:$0x3]  }
0x5: {  	s2 =	srdreg.scid;
	s24 =	rddreg [dreg:$0x4]  }
0x6: {  	s0 =	stileid.u32;
	s3 =	rddreg [dreg:$0x5]  }
0x7: {  	s4 =	simm.s32 $0x0;
	s10 =	simm.s32 $0x400;
	s11 =	simm.s32 $0x200  }
0x8: {  	s12 =	simm.s32 $0x720;
	s23 =	sand.u32 $0x1, s2;
	s29 =	sshll.u32 s0, $0x1  }
0x9: {  	s6 =	sshll.u32 s0, $0x7;
	s2 =	rddreg [dreg:$0x6];
	s8 =	sor.u32 s23, s29  }
0xa: {  	[smem:$0x7FF] =	sst s4;
	s13 =	sadd.s32 $0x3000, s3;
	s9 =	sshll.u32 s8, $0x4  }
0xb: {  	s30 =	sshll.u32 s0, $0xC;
	p0 =	sgt.u32 s0, $0x2;
	s6 =	sor.u32 s6, s9  }
0xc: {  	s17 =	sshll.u32 s0, $0x9;
	_ =	strace $0x80000047;
	s6 =	sand.u32 $0x670, s6  }
0xd: {  	p1 =	sne.s32 @p0 s0, $0x3;
	s25 =	sshll.u32 s8, $0xD;
	s6 =	sadd.s32 s6, s5  }
0xe: {  	s8 =	sadd.s32 $0x600, s16;
	s9 =	simm.s32 $0x80;
	s5 =	sadd.s32 $0x400, s6  }
0xf: {  	[tilespmem:s4], [sflag:$0x1] =	stream.strided.gather [hbm4b:s5+s9], $0x200, s10, s9, $0x38;
	[tilespmem:$0x10720] =	vst v63  }
0x10: {  	p1 =	por p1, !p0;
	s7 =	sadd.s32 s7, s25;
	s6 =	sadd.s32 $0xC00, s6  }
0x11: {  	[tilespmem:s11], [sflag:$0x1] =	stream.strided.gather [hbm4b:s6+s9], $0x200, s10, s9, $0x38;
	[tilespmem:$0x10720] =	vst v63  }
0x12: {  	s13 =	sshrl.u32 @!p1 s13, $0x3;
	s14 =	simm.s32 @!p1 $0x1CC5;
	s15 =	simm.s32 @!p1 $0x5  }
0x13: {  	[tilespmem:s12], [sflag:$0x2] =	stream.linear.gather [hbm4b:s7+s4], $0x10000, $0x38;
	[tilespmem:$0x10720] =	vst v63  }
0x14: {  	[spmem:s13], [sflag:s14] =	dma.local @!p1 [hbm:s8], $0x40  }
0x15: {  	s18 =	sadd.s32 s30, s3;
	s19 =	sshll.u32 @!p0 s0, $0x6;
	_ =	swait.ge @!p1 [sflag:s15], $0x40  }
0x16: {  	s16 =	sadd.s32 s16, s17;
	s17 =	sor.u32 @!p0 $0x1C05, s19;
	[sflag:s15] =	ssyncset.done @!p1 $0x0  }
0x17: {  	s18 =	sshrl.u32 @!p0 s18, $0x3;
	s19 =	simm.s32 @!p0 $0x5;
	[sflag:s15] =	ssyncadd.s32 @!p1 $0xFFFFFFC0  }
0x18: {  	[spmem:s18], [sflag:s17] =	dma.local @!p0 [hbm:s16], $0x200  }
0x19: {  	_ =	swait.ge @!p0 [sflag:s19], $0x200  }
0x1a: {  	[sflag:s19] =	ssyncset.done @!p0 $0x0  }
0x1b: {  	s20 =	simm.s32 $0x1;
	[sflag:s19] =	ssyncadd.s32 @!p0 $0xFFFFFE00  }
0x1c: {  	_ =	swait.ge [sflag:s20], $0x200  }
0x1d: {  	[sflag:s20] =	ssyncset.done $0x0  }
0x1e: {  	[sflag:s20] =	ssyncadd.s32 $0xFFFFFE00  }
0x1f: {  	_ =	swait.ge [sflag:s20], $0x200  }
0x20: {  	[sflag:s20] =	ssyncset.done $0x0  }
0x21: {  	s21 =	simm.s32 $0x2;
	[sflag:s20] =	ssyncadd.s32 $0xFFFFFE00  }
0x22: {  	_ =	swait.ge [sflag:s21], $0x10000  }
0x23: {  	[sflag:s21] =	ssyncset.done $0x0  }
0x24: {  	s26 =	ssub.s32 $0x2, s23;
	[sflag:s21] =	ssyncadd.s32 $0xFFFF0000  }
0x25: {  	[tilespmem:s12], [sflag:$0x3] =	stream.indirect.gather.add.f32 [hbm:s1], $0x80, s4, s11, $0xb8;
	[tilespmem:$0x10720] =	vst v63  }
0x26: {  	s22 =	simm.s32 $0x3;
	s28 =	sshrl.u32 s26, $0x1;
	[bflag:$0x0] =	sbarrier.arrive $0xFFFF  }
0x27: {  	[tilespmem:s12], [sflag:$0x4] =	stream.indirect.gather.add.f32 [spmem:s3], $0x80, s11, s11, $0xb8;
	[tilespmem:$0x10720] =	vst v63  }
0x28: {  	s26 =	ssub.s32 s26, s28;
	_ =	swait.ge [sflag:s22], $0x10000  }
0x29: {  	s31 =	smax.u32 s26, $0x1;
	[sflag:s22] =	ssyncset.done $0x0  }
0x2a: {  	s23 =	simm.s32 $0x4;
	s26 =	sadd.s32 $0xFFFFFFFF, s31;
	[sflag:s22] =	ssyncadd.s32 $0xFFFF0000  }
0x2b: {  	p2 =	sne.s32 s26, $0x0;
	_ =	swait.ge [sflag:s23], $0x10000  }
.Ltmp0:
0x2c: {  	[sflag:s23] =	ssyncset.done $0x0;
	(pc) =	sbr.rel @!p2 .LBB2_2-.Ltmp0, $4  }
0x2d: {  	s24 =	sadd.s32 s24, s25;
	s25 =	simm.s32 $0x5;
	[sflag:s23] =	ssyncadd.s32 $0xFFFF0000  }
0x2e: {  	[hbm4b:s24+s4] =	stream.linear.scatter [tilespmem:s12], [sflag:$0x5], $0x10000, $0x38;
	[tilespmem:$0x10720] =	vst v63  }
0x2f: {  	_ =	swait.ge [sflag:s25], $0x10000  }
0x30: {  	[sflag:s25] =	ssyncset.done $0x0  }
.LBB2_1:
0x31: {  	s26 =	sadd.s32 $0xFFFFFFFF, s26;
	[sflag:s25] =	ssyncadd.s32 $0xFFFF0000  }
0x32: {  	[tilespmem:s4], [sflag:$0x1] =	stream.strided.gather [hbm4b:s5+s9], $0x200, s10, s9, $0x38;
	[tilespmem:$0x10720] =	vst v63  }
0x33: {  	p2 =	sne.s32 s26, $0x0  }
0x34: {  	[tilespmem:s11], [sflag:$0x1] =	stream.strided.gather [hbm4b:s6+s9], $0x200, s10, s9, $0x38;
	[tilespmem:$0x10720] =	vst v63  }
0x35: {  	_ = 	snop  }
0x36: {  	[tilespmem:s12], [sflag:$0x2] =	stream.linear.gather [hbm4b:s7+s4], $0x10000, $0x38;
	[tilespmem:$0x10720] =	vst v63  }
0x37: {  	[spmem:s13], [sflag:s14] =	dma.local @!p1 [hbm:s8], $0x40  }
0x38: {  	_ =	swait.ge @!p1 [sflag:s15], $0x40  }
0x39: {  	[sflag:s15] =	ssyncset.done @!p1 $0x0  }
0x3a: {  	[sflag:s15] =	ssyncadd.s32 @!p1 $0xFFFFFFC0  }
0x3b: {  	[spmem:s18], [sflag:s17] =	dma.local @!p0 [hbm:s16], $0x200  }
0x3c: {  	_ =	swait.ge @!p0 [sflag:s19], $0x200  }
0x3d: {  	[sflag:s19] =	ssyncset.done @!p0 $0x0  }
0x3e: {  	[sflag:s19] =	ssyncadd.s32 @!p0 $0xFFFFFE00  }
0x3f: {  	_ =	swait.ge [sflag:s20], $0x200  }
0x40: {  	[sflag:s20] =	ssyncset.done $0x0  }
0x41: {  	[sflag:s20] =	ssyncadd.s32 $0xFFFFFE00  }
0x42: {  	_ =	swait.ge [sflag:s20], $0x200  }
0x43: {  	[sflag:s20] =	ssyncset.done $0x0  }
0x44: {  	[sflag:s20] =	ssyncadd.s32 $0xFFFFFE00  }
0x45: {  	_ =	swait.ge [sflag:s21], $0x10000  }
0x46: {  	[sflag:s21] =	ssyncset.done $0x0  }
0x47: {  	[sflag:s21] =	ssyncadd.s32 $0xFFFF0000  }
0x48: {  	[tilespmem:s12], [sflag:$0x3] =	stream.indirect.gather.add.f32 [hbm:s1], $0x80, s4, s11, $0xb8;
	[tilespmem:$0x10720] =	vst v63  }
0x49: {  	[bflag:$0x0] =	sbarrier.arrive $0xFFFF  }
0x4a: {  	[tilespmem:s12], [sflag:$0x4] =	stream.indirect.gather.add.f32 [spmem:s3], $0x80, s11, s11, $0xb8;
	[tilespmem:$0x10720] =	vst v63  }
0x4b: {  	_ =	swait.ge [sflag:s22], $0x10000  }
0x4c: {  	[sflag:s22] =	ssyncset.done $0x0  }
0x4d: {  	[sflag:s22] =	ssyncadd.s32 $0xFFFF0000  }
0x4e: {  	_ =	swait.ge [sflag:s23], $0x10000  }
.Ltmp1:
0x4f: {  	[sflag:s23] =	ssyncset.done $0x0;
	(pc) =	sbr.rel @p2 .LBB2_1-.Ltmp1, $4  }
0x50: {  	[sflag:s23] =	ssyncadd.s32 $0xFFFF0000  }
0x51: {  	[hbm4b:s24+s4] =	stream.linear.scatter [tilespmem:s12], [sflag:$0x5], $0x10000, $0x38;
	[tilespmem:$0x10720] =	vst v63  }
0x52: {  	_ =	swait.ge [sflag:s25], $0x10000  }
0x53: {  	[sflag:s25] =	ssyncset.done $0x0  }
.LBB2_2:
0x54: {  	[sflag:s25] =	ssyncadd.s32 $0xFFFF0000  }
0x55: {  	_ =	sfence.sel $0x180000  }
0x56: {  	[bflag:$0x0] =	sbarrier.arrive $0xFFFF  }
0x57: {  	p0 =	sne.s32 s0, $0x0;
	_ =	strace $0x90000047  }
0x58: {  	s0 =	sadd.s32 @!p0 $0x100000, s2;
	[bflag:$0x2] =	sbarrier.arrive $0xFFFF  }
0x59: {  	[sflag:s0] =	ssyncadd.tile.s32 @!p0 $0x1;
	_ =	shalt  }
.Lfunc_end2:
_tile_overlayer_lowered:
.L_overlay_start_2:
0x5a: {  	(tag) =	ssettag $0x2  }
0x5b: {  	s0 =	rddreg [dreg:$0x0];
	s2 =	stileid.u32  }
0x5c: {  	s1 =	rddreg [dreg:$0x1];
	p0 =	sne.s32 s2, $0x0  }
0x5d: {  	s3 =	rddreg [dreg:$0x2];
	[bflag:$0x3] =	sbarrier.arrive $0xFFFF;
	s2 =	simm.s32 @!p0 $0x1C05  }
0x5e: {  	[timem:s3], [sflag:s2] =	dma.local @!p0 [hbm:s0], s1  }
0x5f: {  	s0 =	simm.s32 @!p0 $0x5  }
0x60: {  	_ =	swait.ge @!p0 [sflag:s0], s1  }
0x61: {  	s1 =	ssub.s32 @!p0 $0x0, s1;
	[sflag:s0] =	ssyncset.done @!p0 $0x0  }
0x62: {  	[sflag:s0] =	ssyncadd.s32 @!p0 s1  }
0x63: {  	[bflag:$0x3] =	sbarrier.arrive $0xFFFF  }
0x64: {  	_ =	shalt  }

</sc_bundles>
